<compile_context>
chip_gen: v7x
topology: tpu7x:2x2x1
jax: 0.10.2.dev20260603
libtpu: 0.0.44.dev20260713+nightly
codegen_flags: <defaults>
</compile_context>

<pallas_src>
import functools

import jax
import jax.numpy as jnp
from jax import lax
from jax.experimental import pallas as pl
from jax.experimental.pallas import tpu as pltpu
from jax.experimental.pallas import tpu_sc as plsc

NC = 2
NS = 16
NW = NC * NS
K = 128
L = 16


def _sc_aggregate(x_any, src_flat, dst_flat, n_pad, ke):
    d = x_any.shape[1]
    n_chunks = src_flat.shape[0] // (NW * ke)
    e_w = n_chunks * ke
    rows_per_tile = n_pad // NS
    mesh = plsc.VectorSubcoreMesh(
        core_axis_name="c", subcore_axis_name="s", num_cores=NC, num_subcores=NS
    )

    @functools.partial(
        pl.kernel,
        out_type=[
            jax.ShapeDtypeStruct((NC, n_pad, d), jnp.float32),
            jax.ShapeDtypeStruct((NW * n_pad,), jnp.float32),
        ],
        mesh=mesh,
        compiler_params=pltpu.CompilerParams(needs_layout_passes=False),
        scratch_types=[
            pltpu.VMEM((e_w,), jnp.int32),
            pltpu.VMEM((e_w,), jnp.int32),
            pltpu.VMEM((ke,), jnp.int32),
            pltpu.VMEM((ke, d), jnp.float32),
            pltpu.VMEM((n_pad,), jnp.float32),
            pltpu.VMEM_SHARED((n_pad, d), jnp.float32),
            pltpu.SemaphoreType.DMA,
        ],
    )
    def sc_kernel(x_hbm, src_hbm, dst_hbm, zacc_hbm,
                  out_hbm, deg_hbm,
                  srcb_v, dstb_v, dst_v, rows_v, hist_v, acc_sh, sem):
        c = lax.axis_index("c")
        s = lax.axis_index("s")
        wid = c * NS + s
        rows = pl.ds(s * rows_per_tile, rows_per_tile)
        pltpu.sync_copy(zacc_hbm.at[rows], acc_sh.at[rows])
        woff = pl.multiple_of(wid * e_w, 8)
        pltpu.sync_copy(src_hbm.at[pl.ds(woff, e_w)], srcb_v)
        pltpu.sync_copy(dst_hbm.at[pl.ds(woff, e_w)], dstb_v)

        def zero_body(i, carry):
            hist_v[pl.ds(i * L, L)] = jnp.zeros((L,), jnp.float32)
            return carry

        lax.fori_loop(0, n_pad // L, zero_body, 0)
        plsc.subcore_barrier()

        def body(j, carry):
            boff = pl.multiple_of(j * ke, 8)
            gather = pltpu.async_copy(
                x_hbm.at[srcb_v.at[pl.ds(boff, ke)]], rows_v, sem
            )
            for t in range(ke // L):
                dst_v[pl.ds(t * L, L)] = dstb_v[pl.ds(boff + t * L, L)]
                idx = srcb_v[pl.ds(boff + t * L, L)]
                cnt, last = plsc.scan_count(idx)
                plsc.addupdate_scatter(
                    hist_v, [idx], cnt.astype(jnp.float32), mask=last
                )
            gather.wait()
            pltpu.sync_copy(rows_v, acc_sh.at[dst_v], add=True)
            return carry

        lax.fori_loop(0, n_chunks, body, 0)
        plsc.subcore_barrier()
        pltpu.sync_copy(acc_sh.at[rows], out_hbm.at[c, rows])
        doff = pl.multiple_of(wid * n_pad, 128)
        pltpu.sync_copy(hist_v, deg_hbm.at[pl.ds(doff, n_pad)])

    zacc = jnp.zeros((n_pad, d), jnp.float32)
    return sc_kernel(x_any, src_flat, dst_flat, zacc)


def _tc_finish(parts, degs, W):
    _, n_pad, d = parts.shape

    def body(p_ref, dp_ref, w_ref, o_ref):
        agg = p_ref[0] + p_ref[1]
        deg = jnp.sum(dp_ref[...], axis=0)
        scale = jnp.where(deg > 0, 1.0 / deg, 0.0)
        o_ref[...] = (
            jnp.dot(agg, w_ref[...], preferred_element_type=jnp.float32)
            * scale[:, None]
        )

    return pl.pallas_call(
        body,
        out_shape=jax.ShapeDtypeStruct((n_pad, d), jnp.float32),
    )(parts, degs, W)


def kernel(x, edge_index, W):
    n, d = x.shape
    src = edge_index[0].astype(jnp.int32)
    dst = edge_index[1].astype(jnp.int32)
    e = src.shape[0]

    n_pad = -(-(n + 1) // (NS * 8)) * (NS * 8)
    ke = 0
    for cand in range(128, 0, -8):
        if e % (NW * cand) == 0:
            ke = cand
            break
    if ke:
        parts, deg_flat = _sc_aggregate(x, src, dst, n_pad, ke)
    else:
        e_per_w = -(-e // (NW * K)) * K
        pad = NW * e_per_w - e
        src_flat = jnp.concatenate([src, jnp.full((pad,), n, jnp.int32)])
        dst_flat = jnp.concatenate([dst, jnp.full((pad,), n, jnp.int32)])
        x_pad = jnp.zeros((n_pad, d), jnp.float32).at[:n].set(x)
        parts, deg_flat = _sc_aggregate(x_pad, src_flat, dst_flat, n_pad, K)

    degs = deg_flat.reshape(NW, n_pad)
    h = _tc_finish(parts, degs, W)
    return h[:n]

# --- scband reference (transcript-rebuilt; emitter-appended) ---
"""Pipeline reference for scband-gcn-49813030699305 (READ-ONLY COPY).

The authoritative reference and input builder live on the scoring server;
editing this copy changes nothing except your own understanding.
"""

import jax, jax.numpy as jnp
import numpy as np

N_NODES = 10000
N_EDGES = 320000
D_FEAT = 128
FEATURES = 128


def setup_inputs(seed: int = 0) -> dict:
    key = jax.random.key(seed)
    k_x, k_e, k_w = jax.random.split(key, 3)
    x = jax.random.normal(k_x, (N_NODES, D_FEAT), dtype=jnp.float32)
    edge_index = jax.random.randint(k_e, (2, N_EDGES), 0, N_NODES, dtype=jnp.int64)
    # glorot_uniform for Dense kernel (in=D_FEAT, out=FEATURES)
    limit = float(np.sqrt(6.0 / (D_FEAT + FEATURES)))
    W = jax.random.uniform(k_w, (D_FEAT, FEATURES), dtype=jnp.float32, minval=-limit, maxval=limit)
    return {"x": x, "edge_index": edge_index, "W": W}


def reference(x, edge_index, W):
    # Faithful GCN forward: dropout=0 (identity), activation=None (identity), use_bias=False.
    src = edge_index[0]
    dst = edge_index[1]
    n = x.shape[0]
    # update_all(copy_u('h','m'), sum('m','h')): gather src features, scatter-add to dst
    agg = jax.ops.segment_sum(jnp.take(x, src, axis=0), dst, num_segments=n)
    # out_degrees: number of edges where node is the source
    deg = jnp.bincount(src, length=n).astype(x.dtype)
    norm = jnp.where(deg > 0, deg ** (-0.5), 0.0)
    norm = norm[:, None]
    h = jnp.dot(norm * agg, W) * norm
    return h

if __name__ == "__main__":
    import jax
    _d = setup_inputs()
    print(jax.jit(kernel)(*tuple(_d.values())))

</pallas_src>

<mosaic_0001>
#map = affine_map<(d0, d1) -> (0, 0)>
#map1 = affine_map<(d0, d1) -> (0)>
#map2 = affine_map<(d0, d1) -> (0, 0, 0)>
module attributes {stable_mosaic.version = 14 : i64} {
  func.func @sc_kernel(%arg0: i32, %arg1: i32, %arg2: memref<10000x128xf32, #tpu.memory_space<hbm>>, %arg3: memref<320000xi32, #tpu.memory_space<hbm>>, %arg4: memref<320000xi32, #tpu.memory_space<hbm>>, %arg5: memref<10112x128xf32, #tpu.memory_space<hbm>>, %arg6: memref<2x10112x128xf32, #tpu.memory_space<hbm>>, %arg7: memref<323584xf32, #tpu.memory_space<hbm>>, %arg8: memref<10000xi32, #tpu.memory_space<vmem>>, %arg9: memref<10000xi32, #tpu.memory_space<vmem>>, %arg10: memref<80xi32, #tpu.memory_space<vmem>>, %arg11: memref<80x128xf32, #tpu.memory_space<vmem>>, %arg12: memref<10112xf32, #tpu.memory_space<vmem>>, %arg13: memref<10112x128xf32, #tpu.memory_space<vmem_shared>>, %arg14: memref<!tpu.dma_semaphore, #tpu.memory_space<semaphore_mem>>) attributes {dimension_semantics = [#tpu.dimension_semantics<core_parallel>, #tpu.dimension_semantics<subcore_parallel>], iteration_bounds = array<i64: 2, 16>, scalar_prefetch = 0 : i64, scratch_operands = 7 : i64, tpu.core_type = #tpu.core_type<sc_vector_subcore>, window_params = [{transform_indices = #map}, {transform_indices = #map1}, {transform_indices = #map1}, {transform_indices = #map}, {transform_indices = #map2}, {transform_indices = #map1}]} {
    %mul3A = arith.constant 16 : i32
    %mul3A_0 = arith.muli %arg0, %mul3A : i32
    %add3A = arith.addi %mul3A_0, %arg1 : i32
    %mul3A_1 = arith.constant 632 : i32
    %mul3A_2 = arith.muli %arg1, %mul3A_1 : i32
    "tpu.region"() ({
      %run_scoped3A = tpu.sem_alloc : memref<!tpu.dma_semaphore, #tpu.memory_space<semaphore_mem>>
      %dma_start3A = arith.constant 0 : i32
      %dma_start3A_20 = tpu.memref_slice %arg13[%mul3A_2, %dma_start3A] : memref<10112x128xf32, #tpu.memory_space<vmem_shared>> -> memref<632x128xf32, #tpu.memory_space<vmem_shared>>
      %dma_start3A_21 = arith.constant 0 : i32
      %dma_start3A_22 = tpu.memref_slice %arg5[%mul3A_2, %dma_start3A_21] : memref<10112x128xf32, #tpu.memory_space<hbm>> -> memref<632x128xf32, #tpu.memory_space<hbm>>
      tpu.enqueue_dma source(%dma_start3A_22 : memref<632x128xf32, #tpu.memory_space<hbm>>) target(%dma_start3A_20 : memref<632x128xf32, #tpu.memory_space<vmem_shared>>) target_semaphore(%run_scoped3A : memref<!tpu.dma_semaphore, #tpu.memory_space<semaphore_mem>>)
      %dma_wait3A = arith.constant 0 : i32
      %dma_wait3A_23 = tpu.memref_slice %arg13[%mul3A_2, %dma_wait3A] : memref<10112x128xf32, #tpu.memory_space<vmem_shared>> -> memref<632x128xf32, #tpu.memory_space<vmem_shared>>
      %dma_wait3A_24 = arith.constant 0 : i32
      %dma_wait3A_25 = tpu.memref_slice %arg5[%mul3A_2, %dma_wait3A_24] : memref<10112x128xf32, #tpu.memory_space<hbm>> -> memref<632x128xf32, #tpu.memory_space<hbm>>
      tpu.wait_dma2 semaphore(%run_scoped3A : memref<!tpu.dma_semaphore, #tpu.memory_space<semaphore_mem>>) src(%dma_wait3A_25 : memref<632x128xf32, #tpu.memory_space<hbm>>) dst(%dma_wait3A_23 : memref<632x128xf32, #tpu.memory_space<vmem_shared>>)
      tpu.yield
    }) : () -> ()
    %mul3A_3 = arith.constant 10000 : i32
    %mul3A_4 = arith.muli %add3A, %mul3A_3 : i32
    %multiple_of3A = tpu.assume_multiple %mul3A_4, 8 : i32
    "tpu.region"() ({
      %run_scoped3A = tpu.sem_alloc : memref<!tpu.dma_semaphore, #tpu.memory_space<semaphore_mem>>
      %dma_start3A = tpu.memref_slice %arg3[%multiple_of3A] : memref<320000xi32, #tpu.memory_space<hbm>> -> memref<10000xi32, #tpu.memory_space<hbm>>
      %dma_start3A_20 = tpu.memref_slice %arg3[%multiple_of3A] : memref<320000xi32, #tpu.memory_space<hbm>> -> memref<10000xi32, #tpu.memory_space<hbm>>
      tpu.enqueue_dma source(%dma_start3A_20 : memref<10000xi32, #tpu.memory_space<hbm>>) target(%arg8 : memref<10000xi32, #tpu.memory_space<vmem>>) target_semaphore(%run_scoped3A : memref<!tpu.dma_semaphore, #tpu.memory_space<semaphore_mem>>)
      %dma_wait3A = tpu.memref_slice %arg3[%multiple_of3A] : memref<320000xi32, #tpu.memory_space<hbm>> -> memref<10000xi32, #tpu.memory_space<hbm>>
      %dma_wait3A_21 = tpu.memref_slice %arg3[%multiple_of3A] : memref<320000xi32, #tpu.memory_space<hbm>> -> memref<10000xi32, #tpu.memory_space<hbm>>
      tpu.wait_dma2 semaphore(%run_scoped3A : memref<!tpu.dma_semaphore, #tpu.memory_space<semaphore_mem>>) src(%dma_wait3A_21 : memref<10000xi32, #tpu.memory_space<hbm>>) dst(%arg8 : memref<10000xi32, #tpu.memory_space<vmem>>)
      tpu.yield
    }) : () -> ()
    "tpu.region"() ({
      %run_scoped3A = tpu.sem_alloc : memref<!tpu.dma_semaphore, #tpu.memory_space<semaphore_mem>>
      %dma_start3A = tpu.memref_slice %arg4[%multiple_of3A] : memref<320000xi32, #tpu.memory_space<hbm>> -> memref<10000xi32, #tpu.memory_space<hbm>>
      %dma_start3A_20 = tpu.memref_slice %arg4[%multiple_of3A] : memref<320000xi32, #tpu.memory_space<hbm>> -> memref<10000xi32, #tpu.memory_space<hbm>>
      tpu.enqueue_dma source(%dma_start3A_20 : memref<10000xi32, #tpu.memory_space<hbm>>) target(%arg9 : memref<10000xi32, #tpu.memory_space<vmem>>) target_semaphore(%run_scoped3A : memref<!tpu.dma_semaphore, #tpu.memory_space<semaphore_mem>>)
      %dma_wait3A = tpu.memref_slice %arg4[%multiple_of3A] : memref<320000xi32, #tpu.memory_space<hbm>> -> memref<10000xi32, #tpu.memory_space<hbm>>
      %dma_wait3A_21 = tpu.memref_slice %arg4[%multiple_of3A] : memref<320000xi32, #tpu.memory_space<hbm>> -> memref<10000xi32, #tpu.memory_space<hbm>>
      tpu.wait_dma2 semaphore(%run_scoped3A : memref<!tpu.dma_semaphore, #tpu.memory_space<semaphore_mem>>) src(%dma_wait3A_21 : memref<10000xi32, #tpu.memory_space<hbm>>) dst(%arg9 : memref<10000xi32, #tpu.memory_space<vmem>>)
      tpu.yield
    }) : () -> ()
    %scan3A = arith.constant 0 : i32
    %scan3A_5 = arith.constant 0 : i32
    %scan3A_6 = arith.constant 632 : i32
    %scan3A_7 = arith.addi %scan3A_5, %scan3A_6 : i32
    %scan3A_8 = arith.constant 1 : i32
    scf.for %scan3A_20 = %scan3A_5 to %scan3A_7 step %scan3A_8  : i32 {
      %broadcast_in_dim3A = arith.constant 0.000000e+00 : f32
      %broadcast_in_dim3A_21 = vector.broadcast %broadcast_in_dim3A : f32 to vector<16xf32>
      %mul3A_22 = arith.constant 16 : i32
      %mul3A_23 = arith.muli %scan3A_20, %mul3A_22 : i32
      %swap3A = arith.index_cast %mul3A_23 : i32 to index
      %swap3A_24 = tpu.vector_load %arg12[%swap3A] {strides = array<i32>} : memref<10112xf32, #tpu.memory_space<vmem>>, vector<16xf32>,
      tpu.vector_store %arg12[%swap3A], %broadcast_in_dim3A_21 {strides = array<i32>} : memref<10112xf32, #tpu.memory_space<vmem>>, vector<16xf32>,
    }
    %scan3A_9 = arith.constant 632 : i32
    %barrier3A = arith.constant 0 : index
    tpu.barrier barrier_id(%barrier3A)
    %scan3A_10 = arith.constant 0 : i32
    %scan3A_11 = arith.constant 0 : i32
    %scan3A_12 = arith.constant 125 : i32
    %scan3A_13 = arith.addi %scan3A_11, %scan3A_12 : i32
    %scan3A_14 = arith.constant 1 : i32
    scf.for %scan3A_20 = %scan3A_11 to %scan3A_13 step %scan3A_14  : i32 {
      %mul3A_21 = arith.constant 80 : i32
      %mul3A_22 = arith.muli %scan3A_20, %mul3A_21 : i32
      %multiple_of3A_23 = tpu.assume_multiple %mul3A_22, 8 : i32
      %dma_start3A = tpu.memref_slice %arg8[%multiple_of3A_23] : memref<10000xi32, #tpu.memory_space<vmem>> -> memref<80xi32, #tpu.memory_space<vmem>>
      %dma_start3A_24 = arith.constant 0 : i32
      %dma_start3A_25 = arith.constant 0 : i32
      %dma_start3A_26 = tpu.memref_slice %arg2[%dma_start3A_24, %dma_start3A_25] : memref<10000x128xf32, #tpu.memory_space<hbm>> -> memref<10000x128xf32, #tpu.memory_space<hbm>>
      tpu.enqueue_indirect_dma source(%dma_start3A_26 : memref<10000x128xf32, #tpu.memory_space<hbm>>) target(%arg11 : memref<80x128xf32, #tpu.memory_space<vmem>>) offsets(%dma_start3A : memref<80xi32, #tpu.memory_space<vmem>>) semaphore(%arg14 : memref<!tpu.dma_semaphore, #tpu.memory_space<semaphore_mem>>)
      %add3A_27 = arith.constant 0 : i32
      %add3A_28 = arith.addi %multiple_of3A_23, %add3A_27 : i32
      %get3A = arith.index_cast %add3A_28 : i32 to index
      %get3A_29 = tpu.vector_load %arg9[%get3A] {strides = array<i32>} : memref<10000xi32, #tpu.memory_space<vmem>>, vector<16xi32>,
      %swap3A = arith.constant 0 : index
      %swap3A_30 = tpu.vector_load %arg10[%swap3A] {strides = array<i32>} : memref<80xi32, #tpu.memory_space<vmem>>, vector<16xi32>,
      tpu.vector_store %arg10[%swap3A], %get3A_29 {strides = array<i32>} : memref<80xi32, #tpu.memory_space<vmem>>, vector<16xi32>,
      %add3A_31 = arith.constant 0 : i32
      %add3A_32 = arith.addi %multiple_of3A_23, %add3A_31 : i32
      %get3A_33 = arith.index_cast %add3A_32 : i32 to index
      %get3A_34 = tpu.vector_load %arg8[%get3A_33] {strides = array<i32>} : memref<10000xi32, #tpu.memory_space<vmem>>, vector<16xi32>,
      %broadcast_in_dim3A = arith.constant true
      %broadcast_in_dim3A_35 = vector.broadcast %broadcast_in_dim3A : i1 to vector<16xi1>
      %unique3A, %unique3A_36 = tpu.scan_count mask(%broadcast_in_dim3A_35 : vector<16xi1>) value(%get3A_34 : vector<16xi32>) : vector<16xi1>, vector<16xi32>
      %convert_element_type3A = arith.sitofp %unique3A_36 : vector<16xi32> to vector<16xf32>
      tpu.vector_store_idx %arg12[%get3A_34], %convert_element_type3A masked %unique3A {add = true} : memref<10112xf32, #tpu.memory_space<vmem>>[vector<16xi32>], vector<16xf32>, vector<16xi1>
      %add3A_37 = arith.constant 16 : i32
      %add3A_38 = arith.addi %multiple_of3A_23, %add3A_37 : i32
      %get3A_39 = arith.index_cast %add3A_38 : i32 to index
      %get3A_40 = tpu.vector_load %arg9[%get3A_39] {strides = array<i32>} : memref<10000xi32, #tpu.memory_space<vmem>>, vector<16xi32>,
      %swap3A_41 = arith.constant 16 : index
      %swap3A_42 = tpu.vector_load %arg10[%swap3A_41] {strides = array<i32>} : memref<80xi32, #tpu.memory_space<vmem>>, vector<16xi32>,
      tpu.vector_store %arg10[%swap3A_41], %get3A_40 {strides = array<i32>} : memref<80xi32, #tpu.memory_space<vmem>>, vector<16xi32>,
      %add3A_43 = arith.constant 16 : i32
      %add3A_44 = arith.addi %multiple_of3A_23, %add3A_43 : i32
      %get3A_45 = arith.index_cast %add3A_44 : i32 to index
      %get3A_46 = tpu.vector_load %arg8[%get3A_45] {strides = array<i32>} : memref<10000xi32, #tpu.memory_space<vmem>>, vector<16xi32>,
      %broadcast_in_dim3A_47 = arith.constant true
      %broadcast_in_dim3A_48 = vector.broadcast %broadcast_in_dim3A_47 : i1 to vector<16xi1>
      %unique3A_49, %unique3A_50 = tpu.scan_count mask(%broadcast_in_dim3A_48 : vector<16xi1>) value(%get3A_46 : vector<16xi32>) : vector<16xi1>, vector<16xi32>
      %convert_element_type3A_51 = arith.sitofp %unique3A_50 : vector<16xi32> to vector<16xf32>
      tpu.vector_store_idx %arg12[%get3A_46], %convert_element_type3A_51 masked %unique3A_49 {add = true} : memref<10112xf32, #tpu.memory_space<vmem>>[vector<16xi32>], vector<16xf32>, vector<16xi1>
      %add3A_52 = arith.constant 32 : i32
      %add3A_53 = arith.addi %multiple_of3A_23, %add3A_52 : i32
      %get3A_54 = arith.index_cast %add3A_53 : i32 to index
      %get3A_55 = tpu.vector_load %arg9[%get3A_54] {strides = array<i32>} : memref<10000xi32, #tpu.memory_space<vmem>>, vector<16xi32>,
      %swap3A_56 = arith.constant 32 : index
      %swap3A_57 = tpu.vector_load %arg10[%swap3A_56] {strides = array<i32>} : memref<80xi32, #tpu.memory_space<vmem>>, vector<16xi32>,
      tpu.vector_store %arg10[%swap3A_56], %get3A_55 {strides = array<i32>} : memref<80xi32, #tpu.memory_space<vmem>>, vector<16xi32>,
      %add3A_58 = arith.constant 32 : i32
      %add3A_59 = arith.addi %multiple_of3A_23, %add3A_58 : i32
      %get3A_60 = arith.index_cast %add3A_59 : i32 to index
      %get3A_61 = tpu.vector_load %arg8[%get3A_60] {strides = array<i32>} : memref<10000xi32, #tpu.memory_space<vmem>>, vector<16xi32>,
      %broadcast_in_dim3A_62 = arith.constant true
      %broadcast_in_dim3A_63 = vector.broadcast %broadcast_in_dim3A_62 : i1 to vector<16xi1>
      %unique3A_64, %unique3A_65 = tpu.scan_count mask(%broadcast_in_dim3A_63 : vector<16xi1>) value(%get3A_61 : vector<16xi32>) : vector<16xi1>, vector<16xi32>
      %convert_element_type3A_66 = arith.sitofp %unique3A_65 : vector<16xi32> to vector<16xf32>
      tpu.vector_store_idx %arg12[%get3A_61], %convert_element_type3A_66 masked %unique3A_64 {add = true} : memref<10112xf32, #tpu.memory_space<vmem>>[vector<16xi32>], vector<16xf32>, vector<16xi1>
      %add3A_67 = arith.constant 48 : i32
      %add3A_68 = arith.addi %multiple_of3A_23, %add3A_67 : i32
      %get3A_69 = arith.index_cast %add3A_68 : i32 to index
      %get3A_70 = tpu.vector_load %arg9[%get3A_69] {strides = array<i32>} : memref<10000xi32, #tpu.memory_space<vmem>>, vector<16xi32>,
      %swap3A_71 = arith.constant 48 : index
      %swap3A_72 = tpu.vector_load %arg10[%swap3A_71] {strides = array<i32>} : memref<80xi32, #tpu.memory_space<vmem>>, vector<16xi32>,
      tpu.vector_store %arg10[%swap3A_71], %get3A_70 {strides = array<i32>} : memref<80xi32, #tpu.memory_space<vmem>>, vector<16xi32>,
      %add3A_73 = arith.constant 48 : i32
      %add3A_74 = arith.addi %multiple_of3A_23, %add3A_73 : i32
      %get3A_75 = arith.index_cast %add3A_74 : i32 to index
      %get3A_76 = tpu.vector_load %arg8[%get3A_75] {strides = array<i32>} : memref<10000xi32, #tpu.memory_space<vmem>>, vector<16xi32>,
      %broadcast_in_dim3A_77 = arith.constant true
      %broadcast_in_dim3A_78 = vector.broadcast %broadcast_in_dim3A_77 : i1 to vector<16xi1>
      %unique3A_79, %unique3A_80 = tpu.scan_count mask(%broadcast_in_dim3A_78 : vector<16xi1>) value(%get3A_76 : vector<16xi32>) : vector<16xi1>, vector<16xi32>
      %convert_element_type3A_81 = arith.sitofp %unique3A_80 : vector<16xi32> to vector<16xf32>
      tpu.vector_store_idx %arg12[%get3A_76], %convert_element_type3A_81 masked %unique3A_79 {add = true} : memref<10112xf32, #tpu.memory_space<vmem>>[vector<16xi32>], vector<16xf32>, vector<16xi1>
      %add3A_82 = arith.constant 64 : i32
      %add3A_83 = arith.addi %multiple_of3A_23, %add3A_82 : i32
      %get3A_84 = arith.index_cast %add3A_83 : i32 to index
      %get3A_85 = tpu.vector_load %arg9[%get3A_84] {strides = array<i32>} : memref<10000xi32, #tpu.memory_space<vmem>>, vector<16xi32>,
      %swap3A_86 = arith.constant 64 : index
      %swap3A_87 = tpu.vector_load %arg10[%swap3A_86] {strides = array<i32>} : memref<80xi32, #tpu.memory_space<vmem>>, vector<16xi32>,
      tpu.vector_store %arg10[%swap3A_86], %get3A_85 {strides = array<i32>} : memref<80xi32, #tpu.memory_space<vmem>>, vector<16xi32>,
      %add3A_88 = arith.constant 64 : i32
      %add3A_89 = arith.addi %multiple_of3A_23, %add3A_88 : i32
      %get3A_90 = arith.index_cast %add3A_89 : i32 to index
      %get3A_91 = tpu.vector_load %arg8[%get3A_90] {strides = array<i32>} : memref<10000xi32, #tpu.memory_space<vmem>>, vector<16xi32>,
      %broadcast_in_dim3A_92 = arith.constant true
      %broadcast_in_dim3A_93 = vector.broadcast %broadcast_in_dim3A_92 : i1 to vector<16xi1>
      %unique3A_94, %unique3A_95 = tpu.scan_count mask(%broadcast_in_dim3A_93 : vector<16xi1>) value(%get3A_91 : vector<16xi32>) : vector<16xi1>, vector<16xi32>
      %convert_element_type3A_96 = arith.sitofp %unique3A_95 : vector<16xi32> to vector<16xf32>
      tpu.vector_store_idx %arg12[%get3A_91], %convert_element_type3A_96 masked %unique3A_94 {add = true} : memref<10112xf32, #tpu.memory_space<vmem>>[vector<16xi32>], vector<16xf32>, vector<16xi1>
      %dma_wait3A = tpu.memref_slice %arg8[%multiple_of3A_23] : memref<10000xi32, #tpu.memory_space<vmem>> -> memref<80xi32, #tpu.memory_space<vmem>>
      %dma_wait3A_97 = arith.constant 0 : i32
      %dma_wait3A_98 = arith.constant 0 : i32
      %dma_wait3A_99 = tpu.memref_slice %arg2[%dma_wait3A_97, %dma_wait3A_98] : memref<10000x128xf32, #tpu.memory_space<hbm>> -> memref<10000x128xf32, #tpu.memory_space<hbm>>
      tpu.wait_indirect_dma semaphore(%arg14 : memref<!tpu.dma_semaphore, #tpu.memory_space<semaphore_mem>>) src(%dma_wait3A_99 : memref<10000x128xf32, #tpu.memory_space<hbm>>) dst(%arg11 : memref<80x128xf32, #tpu.memory_space<vmem>>)
      "tpu.region"() ({
        %run_scoped3A = tpu.sem_alloc : memref<!tpu.dma_semaphore, #tpu.memory_space<semaphore_mem>>
        %dma_start3A_100 = arith.constant 0 : i32
        %dma_start3A_101 = arith.constant 0 : i32
        %dma_start3A_102 = tpu.memref_slice %arg13[%dma_start3A_100, %dma_start3A_101] : memref<10112x128xf32, #tpu.memory_space<vmem_shared>> -> memref<10112x128xf32, #tpu.memory_space<vmem_shared>>
        tpu.enqueue_indirect_dma source(%arg11 : memref<80x128xf32, #tpu.memory_space<vmem>>) target(%dma_start3A_102 : memref<10112x128xf32, #tpu.memory_space<vmem_shared>>) offsets(%arg10 : memref<80xi32, #tpu.memory_space<vmem>>) semaphore(%run_scoped3A : memref<!tpu.dma_semaphore, #tpu.memory_space<semaphore_mem>>) {add = true}
        %dma_wait3A_103 = arith.constant 0 : i32
        %dma_wait3A_104 = arith.constant 0 : i32
        %dma_wait3A_105 = tpu.memref_slice %arg13[%dma_wait3A_103, %dma_wait3A_104] : memref<10112x128xf32, #tpu.memory_space<vmem_shared>> -> memref<10112x128xf32, #tpu.memory_space<vmem_shared>>
        tpu.wait_indirect_dma semaphore(%run_scoped3A : memref<!tpu.dma_semaphore, #tpu.memory_space<semaphore_mem>>) src(%arg11 : memref<80x128xf32, #tpu.memory_space<vmem>>) dst(%dma_wait3A_105 : memref<10112x128xf32, #tpu.memory_space<vmem_shared>>)
        tpu.yield
      }) : () -> ()
    }
    %scan3A_15 = arith.constant 125 : i32
    %barrier3A_16 = arith.constant 0 : index
    tpu.barrier barrier_id(%barrier3A_16)
    "tpu.region"() ({
      %run_scoped3A = tpu.sem_alloc : memref<!tpu.dma_semaphore, #tpu.memory_space<semaphore_mem>>
      %dma_start3A = arith.constant 0 : i32
      %dma_start3A_20 = tpu.memref_slice %arg6[%arg0, %mul3A_2, %dma_start3A] : memref<2x10112x128xf32, #tpu.memory_space<hbm>> -> memref<1x632x128xf32, #tpu.memory_space<hbm>>
      %dma_start3A_21 = tpu.memref_squeeze %dma_start3A_20 : memref<1x632x128xf32, #tpu.memory_space<hbm>> -> memref<632x128xf32, #tpu.memory_space<hbm>>
      %dma_start3A_22 = arith.constant 0 : i32
      %dma_start3A_23 = tpu.memref_slice %arg13[%mul3A_2, %dma_start3A_22] : memref<10112x128xf32, #tpu.memory_space<vmem_shared>> -> memref<632x128xf32, #tpu.memory_space<vmem_shared>>
      tpu.enqueue_dma source(%dma_start3A_23 : memref<632x128xf32, #tpu.memory_space<vmem_shared>>) target(%dma_start3A_21 : memref<632x128xf32, #tpu.memory_space<hbm>>) target_semaphore(%run_scoped3A : memref<!tpu.dma_semaphore, #tpu.memory_space<semaphore_mem>>)
      %dma_wait3A = arith.constant 0 : i32
      %dma_wait3A_24 = tpu.memref_slice %arg6[%arg0, %mul3A_2, %dma_wait3A] : memref<2x10112x128xf32, #tpu.memory_space<hbm>> -> memref<1x632x128xf32, #tpu.memory_space<hbm>>
      %dma_wait3A_25 = tpu.memref_squeeze %dma_wait3A_24 : memref<1x632x128xf32, #tpu.memory_space<hbm>> -> memref<632x128xf32, #tpu.memory_space<hbm>>
      %dma_wait3A_26 = arith.constant 0 : i32
      %dma_wait3A_27 = tpu.memref_slice %arg13[%mul3A_2, %dma_wait3A_26] : memref<10112x128xf32, #tpu.memory_space<vmem_shared>> -> memref<632x128xf32, #tpu.memory_space<vmem_shared>>
      tpu.wait_dma2 semaphore(%run_scoped3A : memref<!tpu.dma_semaphore, #tpu.memory_space<semaphore_mem>>) src(%dma_wait3A_27 : memref<632x128xf32, #tpu.memory_space<vmem_shared>>) dst(%dma_wait3A_25 : memref<632x128xf32, #tpu.memory_space<hbm>>)
      tpu.yield
    }) : () -> ()
    %mul3A_17 = arith.constant 10112 : i32
    %mul3A_18 = arith.muli %add3A, %mul3A_17 : i32
    %multiple_of3A_19 = tpu.assume_multiple %mul3A_18, 128 : i32
    "tpu.region"() ({
      %run_scoped3A = tpu.sem_alloc : memref<!tpu.dma_semaphore, #tpu.memory_space<semaphore_mem>>
      %dma_start3A = tpu.memref_slice %arg7[%multiple_of3A_19] : memref<323584xf32, #tpu.memory_space<hbm>> -> memref<10112xf32, #tpu.memory_space<hbm>>
      %dma_start3A_20 = tpu.memref_slice %arg7[%multiple_of3A_19] : memref<323584xf32, #tpu.memory_space<hbm>> -> memref<10112xf32, #tpu.memory_space<hbm>>
      tpu.enqueue_dma source(%arg12 : memref<10112xf32, #tpu.memory_space<vmem>>) target(%dma_start3A_20 : memref<10112xf32, #tpu.memory_space<hbm>>) target_semaphore(%run_scoped3A : memref<!tpu.dma_semaphore, #tpu.memory_space<semaphore_mem>>)
      %dma_wait3A = tpu.memref_slice %arg7[%multiple_of3A_19] : memref<323584xf32, #tpu.memory_space<hbm>> -> memref<10112xf32, #tpu.memory_space<hbm>>
      %dma_wait3A_21 = tpu.memref_slice %arg7[%multiple_of3A_19] : memref<323584xf32, #tpu.memory_space<hbm>> -> memref<10112xf32, #tpu.memory_space<hbm>>
      tpu.wait_dma2 semaphore(%run_scoped3A : memref<!tpu.dma_semaphore, #tpu.memory_space<semaphore_mem>>) src(%arg12 : memref<10112xf32, #tpu.memory_space<vmem>>) dst(%dma_wait3A_21 : memref<10112xf32, #tpu.memory_space<hbm>>)
      tpu.yield
    }) : () -> ()
    return
  }
}

module attributes {stable_mosaic.version = 14 : i64} {
  func.func @body(%arg0: memref<2x10112x128xf32, #tpu.memory_space<vmem>>, %arg1: memref<32x10112xf32, #tpu.memory_space<vmem>>, %arg2: memref<128x128xf32, #tpu.memory_space<vmem>>, %arg3: memref<10112x128xf32, #tpu.memory_space<vmem>>) attributes {dimension_semantics = [], scalar_prefetch = 0 : i64, scratch_operands = 0 : i64, tpu.core_type = #tpu.core_type<tc>} {
    %get3A = arith.constant 0 : index
    %get3A_0 = arith.constant 0 : index
    %get3A_1 = arith.constant 0 : index
    %get3A_2 = vector.load %arg0[%get3A, %get3A_0, %get3A_1] : memref<2x10112x128xf32, #tpu.memory_space<vmem>>, vector<1x10112x128xf32>
    %get3A_3 = vector.shape_cast %get3A_2 : vector<1x10112x128xf32> to vector<10112x128xf32>
    %get3A_4 = arith.constant 1 : index
    %get3A_5 = arith.constant 0 : index
    %get3A_6 = arith.constant 0 : index
    %get3A_7 = vector.load %arg0[%get3A_4, %get3A_5, %get3A_6] : memref<2x10112x128xf32, #tpu.memory_space<vmem>>, vector<1x10112x128xf32>
    %get3A_8 = vector.shape_cast %get3A_7 : vector<1x10112x128xf32> to vector<10112x128xf32>
    %add3A = arith.addf %get3A_3, %get3A_8 : vector<10112x128xf32>
    %get3A_9 = arith.constant 0 : index
    %get3A_10 = arith.constant 0 : index
    %get3A_11 = vector.load %arg1[%get3A_9, %get3A_10] : memref<32x10112xf32, #tpu.memory_space<vmem>>, vector<32x10112xf32>
    %reduce_sum3A = arith.constant dense<0.000000e+00> : vector<10112xf32>
    %reduce_sum3A_12 = vector.multi_reduction <add>, %get3A_11, %reduce_sum3A [0] : vector<32x10112xf32> to vector<10112xf32>
    %gt3A = arith.constant 0.000000e+00 : f32
    %gt3A_13 = vector.broadcast %gt3A : f32 to vector<10112xf32>
    %gt3A_14 = arith.cmpf ogt, %reduce_sum3A_12, %gt3A_13 : vector<10112xf32>
    %div3A = arith.constant 1.000000e+00 : f32
    %div3A_15 = vector.broadcast %div3A : f32 to vector<10112xf32>
    %div3A_16 = arith.divf %div3A_15, %reduce_sum3A_12 : vector<10112xf32>
    %jit3A = arith.constant 0.000000e+00 : f32
    %broadcast_in_dim3A = vector.broadcast %jit3A : f32 to vector<10112xf32>
    %select_n3A = arith.select %gt3A_14, %div3A_16, %broadcast_in_dim3A : vector<10112xi1>, vector<10112xf32>
    %get3A_17 = arith.constant 0 : index
    %get3A_18 = arith.constant 0 : index
    %get3A_19 = vector.load %arg2[%get3A_17, %get3A_18] : memref<128x128xf32, #tpu.memory_space<vmem>>, vector<128x128xf32>
    %dot_general3A = arith.constant dense<0.000000e+00> : vector<10112x128xf32>
    %dot_general3A_20 = tpu.matmul %add3A, %get3A_19, %dot_general3A {dimension_numbers = #tpu.dot_dimension_numbers<[1], [0], [0], [1], [0, 0, 1, 1], [], []>, transpose_lhs_hint = false} : vector<10112x128xf32>, vector<128x128xf32>, vector<10112x128xf32> -> vector<10112x128xf32>
    %broadcast_in_dim3A_21 = vector.shape_cast %select_n3A : vector<10112xf32> to vector<10112x1xf32>
    %mul3A = vector.broadcast %broadcast_in_dim3A_21 : vector<10112x1xf32> to vector<10112x128xf32>
    %mul3A_22 = arith.mulf %dot_general3A_20, %mul3A : vector<10112x128xf32>
    %swap3A = arith.constant 0 : index
    %swap3A_23 = arith.constant 0 : index
    %swap3A_24 = vector.load %arg3[%swap3A, %swap3A_23] : memref<10112x128xf32, #tpu.memory_space<vmem>>, vector<10112x128xf32>
    tpu.vector_store %arg3[%swap3A, %swap3A_23], %mul3A_22 {strides = array<i32>} : memref<10112x128xf32, #tpu.memory_space<vmem>>, vector<10112x128xf32>,
    return
  }
}

</mosaic_0001>

<sc_bundles>
// kernel: kernel.4.cloned.1.call-start
scs
__scs_entry_jumppad:
0x0: {  	(pc) =	sbr.rel $0x88, $3  }
0x1: {  	(tag) =	ssettag $0x0;
	lr =	simm.s32 $0x1  }
0x2: {  	[smem:$0x3F9E] =	sst lr;
	_ =	strace $0xD0000000  }
0x3: {  	_ = 	snop  }
0x4: {  	_ = 	snop  }
0x5: {  	_ = 	snop  }
0x6: {  	_ = 	snop  }
0x7: {  	_ = 	snop  }
__scs_overlays_trampoline_lowered:
0x8: {  	[smem:$0x3FAD] =	sst s0  }
0x9: {  	[smem:$0x3FAE] =	sst s1  }
0xa: {  	[smem:$0x3FAF] =	sst s2  }
0xb: {  	[smem:$0x3FB0] =	sst s3  }
0xc: {  	[smem:$0x3FB1] =	sst s4  }
0xd: {  	[smem:$0x3FB2] =	sst s5  }
0xe: {  	[smem:$0x3FB3] =	sst s6  }
0xf: {  	[smem:$0x3FB4] =	sst s7  }
0x10: {  	[smem:$0x3FB5] =	sst s8  }
0x11: {  	[smem:$0x3FB6] =	sst s9;
	s0 =	simm.s32 @!p0 $0x0  }
0x12: {  	s1 =	sld [smem:$0x3F9C];
	s0 =	simm.s32 @p0 $0x1  }
0x13: {  	[smem:$0x3FB7] =	sst s0;
	s0 =	simm.s32 @!p1 $0x0  }
0x14: {  	s2 =	sld [smem:$0x3F9B];
	s0 =	simm.s32 @p1 $0x1  }
0x15: {  	[smem:$0x3FB8] =	sst s0;
	s0 =	simm.s32 @!p2 $0x0  }
0x16: {  	s3 =	sld [smem:$0x3FDB];
	s0 =	simm.s32 @p2 $0x1  }
0x17: {  	s4 =	simm.s32 $0x1BF5;
	[smem:$0x3FBA] =	sst s0  }
0x18: {  	s0 =	sld [smem:$0x3F9D];
	_ =	swait.ge [sflag:s4], $0x0  }
0x19: {  	s7 =	sld [smem:$0x3F9E]  }
0x1a: {  	s8 =	sadd.s32 $0xFFFFE003, lr  }
0x1b: {  	s9 =	sadd.s32 $0xFFFFFEF7, lr;
	s5 =	simm.s32 $0xFFFFFFFF;
	p2 =	slt.u32 s8, $0xFFFFF086  }
0x1c: {  	p1 =	slt.u32 s9, $0xF7A;
	s5 =	simm.s32 @!p2 $0x0  }
0x1d: {  	s5 =	simm.s32 @p1 $0x1;
	p0 =	seq.s32 s7, s2  }
0x1e: {  	s7 =	smul.u32 @!p0 $0xF7A, s2;
	p2 =	seq.s32 @!p0 s5, $0x0  }
0x1f: {  	s9 =	smul.u32 $0xF7A, s1;
	s8 =	simm.s32 @!p0 $0x1BF5;
	p2 =	por !p2, p0  }
0x20: {  	[sflag:s8] =	ssyncset.s32 @!p0 $0xFFFFF086;
	s6 =	sadd.s32 @!p0 s3, s7;
	s7 =	simm.s32 @!p0 $0x108  }
0x21: {  	s3 =	sadd.s32 s3, s9;
	s6 =	sadd.s32 @!p0 $0x88, s6;
	s7 =	simm.s32 @p2 $0x1082  }
0x22: {  	[simem:s7], [sflag:s8] =	dma.local @!p0 [hbm:s6], $0xF7A  }
0x23: {  	s9 =	sor.u32 $0xD0000000, s2;
	s6 =	simm.s32 $0x108;
	_ =	swait.ge @!p0 [sflag:s8], $0x0  }
0x24: {  	s3 =	sadd.s32 $0x88, s3;
	s6 =	simm.s32 @!p1 $0x1082;
	[sflag:s4] =	ssyncset.s32 $0xFFFFF086  }
0x25: {  	[simem:s6], [sflag:s4] =	dma.local [hbm:s3], $0xF7A  }
0x26: {  	[smem:$0x3F9E] =	sst s1;
	(tag) =	ssettag s2;
	_ =	strace s9  }
0x27: {  	s1 =	sld [smem:$0x3FAE]  }
0x28: {  	s2 =	sld [smem:$0x3FAF]  }
0x29: {  	s4 =	sld [smem:$0x3FB1]  }
0x2a: {  	p0 =	seq.s32 s5, $0x0;
	s5 =	sld [smem:$0x3FB2]  }
0x2b: {  	s6 =	sld [smem:$0x3FB3]  }
0x2c: {  	s7 =	sld [smem:$0x3FB4]  }
0x2d: {  	s3 =	simm.s32 $0x108;
	s8 =	sld [smem:$0x3FB5]  }
0x2e: {  	s3 =	simm.s32 @!p0 $0x1082;
	s9 =	sld [smem:$0x3FB6]  }
0x2f: {  	lr =	sadd.s32 s0, s3;
	s0 =	sld [smem:$0x3FAD]  }
0x30: {  	s3 =	sld [smem:$0x3FB0]  }
0x31: {  	[smem:$0x3FB9] =	sst s10  }
0x32: {  	s10 =	sld [smem:$0x3FB7];
	_ =	sdelay $0x3  }
0x33: {  	p0 =	seq.s32 s10, $0x1;
	s10 =	sld [smem:$0x3FB9];
	_ =	sdelay $0x3  }
0x34: {  	[smem:$0x3FB9] =	sst s10  }
0x35: {  	s10 =	sld [smem:$0x3FB8];
	_ =	sdelay $0x3  }
0x36: {  	p1 =	seq.s32 s10, $0x1;
	s10 =	sld [smem:$0x3FB9];
	_ =	sdelay $0x3  }
0x37: {  	[smem:$0x3FB9] =	sst s10  }
0x38: {  	s10 =	sld [smem:$0x3FBA]  }
0x39: {  	_ = 	snop;
	(pc) =	sbr.ind lr, $3  }
0x3a: {  	_ = 	snop  }
0x3b: {  	_ = 	snop  }
0x3c: {  	p2 =	seq.s32 s10, $0x1;
	s10 =	sld [smem:$0x3FB9]  }
0x3d: {  	_ =	shalt  }
0x3e: {  	_ =	shalt  }
0x3f: {  	_ =	shalt  }
0x40: {  	_ =	shalt  }
0x41: {  	_ =	shalt  }
0x42: {  	_ =	shalt  }
0x43: {  	_ =	shalt  }
0x44: {  	_ =	shalt  }
0x45: {  	_ =	shalt  }
0x46: {  	_ =	shalt  }
0x47: {  	_ =	shalt  }
0x48: {  	_ =	shalt  }
0x49: {  	_ =	shalt  }
0x4a: {  	_ =	shalt  }
0x4b: {  	_ =	shalt  }
0x4c: {  	_ =	shalt  }
0x4d: {  	_ =	shalt  }
0x4e: {  	_ =	shalt  }
0x4f: {  	_ =	shalt  }
0x50: {  	_ =	shalt  }
0x51: {  	_ =	shalt  }
0x52: {  	_ =	shalt  }
0x53: {  	_ =	shalt  }
0x54: {  	_ =	shalt  }
0x55: {  	_ =	shalt  }
0x56: {  	_ =	shalt  }
0x57: {  	_ =	shalt  }
0x58: {  	_ =	shalt  }
0x59: {  	_ =	shalt  }
0x5a: {  	_ =	shalt  }
0x5b: {  	_ =	shalt  }
0x5c: {  	_ =	shalt  }
0x5d: {  	_ =	shalt  }
0x5e: {  	_ =	shalt  }
0x5f: {  	_ =	shalt  }
0x60: {  	_ =	shalt  }
0x61: {  	_ =	shalt  }
0x62: {  	_ =	shalt  }
0x63: {  	_ =	shalt  }
0x64: {  	_ =	shalt  }
0x65: {  	_ =	shalt  }
0x66: {  	_ =	shalt  }
0x67: {  	_ =	shalt  }
0x68: {  	_ =	shalt  }
0x69: {  	_ =	shalt  }
0x6a: {  	_ =	shalt  }
0x6b: {  	_ =	shalt  }
0x6c: {  	_ =	shalt  }
0x6d: {  	_ =	shalt  }
0x6e: {  	_ =	shalt  }
0x6f: {  	_ =	shalt  }
0x70: {  	_ =	shalt  }
0x71: {  	_ =	shalt  }
0x72: {  	_ =	shalt  }
0x73: {  	_ =	shalt  }
0x74: {  	_ =	shalt  }
0x75: {  	_ =	shalt  }
0x76: {  	_ =	shalt  }
0x77: {  	_ =	shalt  }
0x78: {  	_ =	shalt  }
0x79: {  	_ =	shalt  }
0x7a: {  	_ =	shalt  }
0x7b: {  	_ =	shalt  }
0x7c: {  	_ =	shalt  }
0x7d: {  	_ =	shalt  }
0x7e: {  	_ =	shalt  }
0x7f: {  	_ =	shalt  }
0x80: {  	_ =	shalt  }
0x81: {  	_ =	shalt  }
0x82: {  	_ =	shalt  }
0x83: {  	_ =	shalt  }
0x84: {  	_ =	shalt  }
0x85: {  	_ =	shalt  }
0x86: {  	_ =	shalt  }
0x87: {  	_ =	shalt  }
.Lfunc_end0:
.L_simem_size_0:
called_computation_lowered:
.L_overlay_start_0:
0x88: {  	s2 =	sld [smem:$0x3FD9]  }
0x89: {  	s3 =	sld [smem:$0x3FFE];
	_ =	sdelay $0x1  }
0x8a: {  	s1 =	srdreg.scid  }
0x8b: {  	s0 =	sand.u32 $0x1, s1  }
0x8c: {  	s17 =	sshll.u32 s0, $0xA;
	s2 =	sadd.s32 s3, s2  }
0x8d: {  	s2 =	sadd.s32 s2, s17  }
0x8e: {  	[smem:$0x3FC5] =	sst s2  }
0x8f: {  	_ = 	snop  }
0x90: {  	s2 =	sld [smem:$0x3FC9]  }
0x91: {  	s18 =	sld [smem:$0x3FD0];
	(tm) =	ssettm $0x1  }
0x92: {  	s4 =	sld [smem:$0x3FFB];
	_ =	sdelay $0x3  }
0x93: {  	_ =	strace s4  }
0x94: {  	s4 =	sld [smem:$0x3FFC];
	_ =	sdelay $0x3  }
0x95: {  	_ =	strace s4  }
0x96: {  	s4 =	sld [smem:$0x3FFD];
	_ =	sdelay $0x3  }
0x97: {  	_ =	strace s4  }
0x98: {  	_ =	strace $0x8FFFFFFF  }
0x99: {  	s19 =	sld [smem:$0x3FDB];
	_ =	sdelay $0x1  }
0x9a: {  	s5 =	simm.s32 $_scs_section_size  }
0x9b: {  	s6 =	simm.s32 $_size__tile_overlayer_lowered;
	s7 =	simm.s32 $_tile_overlayer_lowered  }
0x9c: {  	s22 =	simm.s32 $0x1BFF;
	s21 =	sshll.u32 s7, $0x1;
	s4 =	sadd.s32 s5, s19  }
0x9d: {  	s8 =	simm.s32 $0x0;
	s20 =	sshll.u32 s6, $0x1;
	s6 =	sadd.s32 s21, s4  }
0x9e: {  	[timem:s8], [sflag:s22] =	dma.local [hbm:s6], s20  }
0x9f: {  	_ =	swait.ge [sflag:s22], s20  }
0xa0: {  	s5 =	ssub.s32 $0x0, s20;
	[sflag:s22] =	ssyncset.done $0x0  }
0xa1: {  	[sflag:s22] =	ssyncadd.s32 s5;
	_ =	sdelay $0x1  }
0xa2: {  	s23 =	simm.s32 $0x1B8B  }
0xa3: {  	_ =	swait.ge [sflag:s23], $0x1  }
0xa4: {  	[sflag:s23] =	ssyncset.done $0x0  }
0xa5: {  	s25 =	simm.s32 $0x1B8E;
	s24 =	sld [smem:$0x3FFE];
	[sflag:s23] =	ssyncadd.s32 $0xFFFFFFFF  }
0xa6: {  	s26 =	simm.s32 $execute0_lowered;
	[smem:$0x3FD2] =	sst s25  }
0xa7: {  	s6 =	sshll.u32 s26, $0x1;
	_ =	strace $0x80000046;
	[dreg:$0x1] =	wrdreg $0xFFFFFFFF  }
0xa8: {  	s28 =	simm.s32 $_size_execute0_lowered;
	s4 =	sadd.s32 s4, s6;
	[dreg:$0x0] =	wrdreg $0x0  }
0xa9: {  	s6 =	sshll.u32 s28, $0x1;
	[dreg:$0x2] =	wrdreg s4  }
0xaa: {  	[dreg:$0x3] =	wrdreg s6  }
0xab: {  	[dreg:$0x4] =	wrdreg $0xC0  }
0xac: {  	_ =	task [dreg:s8], $0x5FFFF  }
0xad: {  	[dreg:$0x1] =	wrdreg $0xFFFFFFFF  }
0xae: {  	[dreg:$0x0] =	wrdreg $0x60  }
0xaf: {  	[dreg:$0x2] =	wrdreg s2  }
0xb0: {  	[dreg:$0x3] =	wrdreg s24  }
0xb1: {  	[dreg:$0x4] =	wrdreg s18  }
0xb2: {  	[dreg:$0x5] =	wrdreg $0x9F000  }
0xb3: {  	[dreg:$0x6] =	wrdreg $0x9  }
0xb4: {  	_ =	task.clear_ibuf [dreg:s8], $0x7FFFF;
	_ =	strace $0x90000046  }
0xb5: {  	s29 =	simm.s32 $0x9;
	_ =	strace $0x80000048  }
0xb6: {  	_ =	swait.ge [sflag:s29], $0x1  }
0xb7: {  	[sflag:s29] =	ssyncadd.s32 $0xFFFFFFFF  }
0xb8: {  	_ =	strace $0x90000048  }
0xb9: {  	_ =	sfence  }
0xba: {  	s30 =	sld [smem:$0x0];
	_ =	sdelay $0x2  }
0xbb: {  	s31 =	sshll.u32 s1, $0xD;
	s1 =	sshrl.u32 s1, $0x2  }
0xbc: {  	s3 =	sand.u32 $0x4000, s31;
	s1 =	sadd.s32 s1, s30  }
0xbd: {  	s0 =	sor.u32 s3, s0;
	s1 =	sshll.u32 s1, $0x11  }
0xbe: {  	s0 =	sor.u32 s1, s0  }
0xbf: {  	s0 =	sadd.s32 $0x8F2B, s0  }
0xc0: {  	[sflag:s0] =	ssyncadd.remote.s32 $0x1  }
0xc1: {  	_ =	sfence.sel $0xFFFF  }
0xc2: {  	[dreg:$0x0] =	wrdreg $0xFFFFFFFF;
	(pc) =	sbr.abs _section_cstart, $3  }
0xc3: {  	[dreg:$0x1] =	wrdreg $0xFFFFFFFF  }
0xc4: {  	_ =	task.clear_ibuf [dreg:s8], $0x2FFFF;
	_ =	strace $0x9FFFFFFF  }
0xc5: {  	(tm) =	ssettm $0x7FFFFFFF  }
tec
execute0_lowered:
.L_overlay_start_1:
0x0: {  	(tag) =	ssettag $0x1  }
0x1: {  	s0 =	rddreg [dreg:$0x0]  }
0x2: {  	s5 =	rddreg [dreg:$0x1]  }
0x3: {  	s1 =	srdreg.scid;
	s10 =	rddreg [dreg:$0x2]  }
0x4: {  	s3 =	rddreg [dreg:$0x3];
	s4 =	simm.s32 $0x0;
	s14 =	simm.s32 $0x2780  }
0x5: {  	s15 =	simm.s32 $0x50;
	s16 =	simm.s32 $0x4F80;
	s17 =	simm.s32 $0x7780  }
0x6: {  	s18 =	simm.s32 $0x1;
	s6 =	sand.u32 $0x1, s1;
	s1 =	stileid.u32  }
0x7: {  	s19 =	simm.s32 $0x4F00;
	s20 =	simm.s32 $0x0;
	s9 =	smul.u32 $0x13C00, s1  }
0x8: {  	[smem:$0x7FF] =	sst s4;
	s2 =	sshll.u32 s6, $0x4;
	s11 =	smul.u32 $0x13C000, s6  }
0x9: {  	s13 =	smul.u32 $0x4F000, s1;
	s6 =	ssub.s32 $0x2, s6;
	s30 =	sshll.u32 s1, $0x6  }
0xa: {  	s7 =	sor.u32 s1, s2;
	s2 =	rddreg [dreg:$0x4];
	_ =	strace $0x80000047  }
0xb: {  	s29 =	sshrl.u32 s6, $0x1;
	s8 =	smul.u32 $0x4E2, s7;
	s12 =	sshrl.u32 s9, $0x3  }
0xc: {  	s9 =	sadd.s32 s9, s11;
	s13 =	sshrl.u32 s13, $0x2;
	s11 =	ssub.s32 s6, s29  }
0xd: {  	s31 =	smul.u32 $0x4F0, s7;
	s6 =	sor.u32 $0x1C02, s30;
	s12 =	sadd.s32 s12, s5  }
0xe: {  	s9 =	sshrl.u32 s9, $0x3;
	s13 =	sadd.s32 s13, s3;
	s11 =	smax.u32 s11, $0x1  }
0xf: {  	s8 =	sadd.s32 s8, s5;
	s9 =	sadd.s32 s9, s5;
	s5 =	sadd.s32 $0x14000, s12  }
0x10: {  	s10 =	sadd.s32 s10, s31;
	s12 =	sshrl.u32 s13, $0x3;
	s13 =	simm.s32 $0x2  }
0x11: {  	v0 =	vimm.f32 $0.0e+00;
	s7 =	sadd.s32 $0xA200, s8;
	s8 =	sadd.s32 $0x400, s8;
	s9 =	sadd.s32 $0x3B800, s9  }
.LBB2_1:
0x12: {  	[spmem:s12], [sflag:s6] =	dma.local [hbm:s5], $0x2780  }
0x13: {  	_ =	swait.ge [sflag:s13], $0x2780  }
0x14: {  	[sflag:s13] =	ssyncset.done $0x0  }
0x15: {  	[sflag:s13] =	ssyncadd.s32 $0xFFFFD880  }
0x16: {  	[tilespmem:s4], [sflag:$0x2] =	stream.linear.gather [hbm4b:s7+s4], $0x2710, $0x38;
	[tilespmem:$0x1DB00] =	vst v63  }
0x17: {  	_ =	swait.ge [sflag:s13], $0x2710  }
0x18: {  	[sflag:s13] =	ssyncset.done $0x0  }
0x19: {  	[sflag:s13] =	ssyncadd.s32 $0xFFFFD8F0  }
0x1a: {  	[tilespmem:s14], [sflag:$0x2] =	stream.linear.gather [hbm4b:s8+s4], $0x2710, $0x38;
	[tilespmem:$0x1DB00] =	vst v63  }
0x1b: {  	_ =	swait.ge [sflag:s13], $0x2710  }
0x1c: {  	[sflag:s13] =	ssyncset.done $0x0  }
0x1d: {  	s21 =	simm.s32 $0x40;
	s22 =	simm.s32 $0x0;
	[sflag:s13] =	ssyncadd.s32 $0xFFFFD8F0  }
.LBB2_2:
0x1e: {  	p0 =	sne.s32 s21, $0x9DC0;
	[tilespmem:s22+$0x7780] =	vst v0;
	s22 =	smov.u32 s21;
	s21 =	sadd.s32 $0x40, s21  }
.Ltmp0:
0x1f: {  	(pc) =	sbr.rel @p0 .LBB2_2-.Ltmp0, $2  }
0x20: {  	_ =	sdelay $0x2  }
0x21: {  	s22 =	sshra.s32 s22, $0x2  }
0x22: {  	[tilespmem:s22+$0x7780] =	vst v0  }
0x23: {  	s21 =	simm.s32 $0x0;
	[bflag:$0x0] =	sbarrier.arrive $0xFFFF  }
.LBB2_4:
0x24: {  	s22 =	sshra.s32 s21, $0x2  }
0x25: {  	[tilespmem:s16], [sflag:$0x1] =	stream.indirect.gather [hbm4b:s0+s15], $0x80, s22, s15, $0xb8;
	[tilespmem:$0x1DB00] =	vst v63  }
0x26: {  	v1 =	vld [tilespmem:s22+$0x2780];
	_ =	sdelay $0x4  }
0x27: {  	[tilespmem:$0x4F00] =	vst v1  }
0x28: {  	v1 =	vld [tilespmem:s22+$0x0];
	_ =	sdelay $0x4  }
0x29: {  	(xrf1) =	vunique.msk.u32 $0xffff, v1;
	_ =	sdelay $0xd  }
0x2a: {  	_, v2, vm0 =	vpop (xrf1);
	_ =	sdelay $0x3  }
0x2b: {  	v2 =	vcvt.s32.f32 v2;
	_ =	sdelay $0x1  }
0x2c: {  	[tilespmem:v1+s17+$0x0] =	vst.idx.add.f32.msk vm0, v2  }
0x2d: {  	v1 =	vld [tilespmem:s22+$0x2790];
	_ =	sdelay $0x4  }
0x2e: {  	[tilespmem:$0x4F10] =	vst v1  }
0x2f: {  	v1 =	vld [tilespmem:s22+$0x10];
	_ =	sdelay $0x4  }
0x30: {  	(xrf1) =	vunique.msk.u32 $0xffff, v1;
	_ =	sdelay $0xd  }
0x31: {  	_, v2, vm0 =	vpop (xrf1);
	_ =	sdelay $0x3  }
0x32: {  	v2 =	vcvt.s32.f32 v2;
	_ =	sdelay $0x1  }
0x33: {  	[tilespmem:v1+s17+$0x0] =	vst.idx.add.f32.msk vm0, v2  }
0x34: {  	v1 =	vld [tilespmem:s22+$0x27A0];
	_ =	sdelay $0x4  }
0x35: {  	[tilespmem:$0x4F20] =	vst v1  }
0x36: {  	v1 =	vld [tilespmem:s22+$0x20];
	_ =	sdelay $0x4  }
0x37: {  	(xrf1) =	vunique.msk.u32 $0xffff, v1;
	_ =	sdelay $0xd  }
0x38: {  	_, v2, vm0 =	vpop (xrf1);
	_ =	sdelay $0x3  }
0x39: {  	v2 =	vcvt.s32.f32 v2;
	_ =	sdelay $0x1  }
0x3a: {  	[tilespmem:v1+s17+$0x0] =	vst.idx.add.f32.msk vm0, v2  }
0x3b: {  	v1 =	vld [tilespmem:s22+$0x27B0];
	_ =	sdelay $0x4  }
0x3c: {  	[tilespmem:$0x4F30] =	vst v1  }
0x3d: {  	v1 =	vld [tilespmem:s22+$0x30];
	_ =	sdelay $0x4  }
0x3e: {  	(xrf1) =	vunique.msk.u32 $0xffff, v1;
	_ =	sdelay $0xd  }
0x3f: {  	_, v2, vm0 =	vpop (xrf1);
	_ =	sdelay $0x3  }
0x40: {  	v2 =	vcvt.s32.f32 v2;
	_ =	sdelay $0x1  }
0x41: {  	[tilespmem:v1+s17+$0x0] =	vst.idx.add.f32.msk vm0, v2  }
0x42: {  	v1 =	vld [tilespmem:s22+$0x27C0];
	_ =	sdelay $0x4  }
0x43: {  	[tilespmem:$0x4F40] =	vst v1  }
0x44: {  	v1 =	vld [tilespmem:s22+$0x40];
	_ =	sdelay $0x4  }
0x45: {  	(xrf1) =	vunique.msk.u32 $0xffff, v1;
	_ =	sdelay $0xd  }
0x46: {  	_, v2, vm0 =	vpop (xrf1);
	_ =	sdelay $0x3  }
0x47: {  	v2 =	vcvt.s32.f32 v2;
	_ =	sdelay $0x1  }
0x48: {  	[tilespmem:v1+s17+$0x0] =	vst.idx.add.f32.msk vm0, v2  }
0x49: {  	_ =	swait.ge [sflag:s18], $0x2800  }
0x4a: {  	p0 =	sne.s32 s21, $0x9B00;
	[sflag:s18] =	ssyncset.done $0x0  }
.Ltmp1:
0x4b: {  	[sflag:s18] =	ssyncadd.s32 $0xFFFFD800;
	(pc) =	sbr.rel @p0 .LBB2_4-.Ltmp1, $4  }
0x4c: {  	[spmem:s3] =	stream.indirect.scatter.add.f32 [tilespmem:s16], [sflag:$0x2], $0x80, s19, s15, $0xb8;
	[tilespmem:$0x1DB00] =	vst v63  }
0x4d: {  	_ =	swait.ge [sflag:s13], $0x2800  }
0x4e: {  	[sflag:s13] =	ssyncset.done $0x0  }
0x4f: {  	s21 =	sadd.s32 $0x140, s21;
	[sflag:s13] =	ssyncadd.s32 $0xFFFFD800  }
0x50: {  	[bflag:$0x0] =	sbarrier.arrive $0xFFFF  }
0x51: {  	[hbm:s9], [sflag:s6] =	dma.local [spmem:s12], $0x2780  }
0x52: {  	s20 =	sadd.s32 $0x1, s20;
	_ =	swait.ge [sflag:s13], $0x2780  }
0x53: {  	p0 =	sne.s32 s20, s11;
	[sflag:s13] =	ssyncset.done $0x0  }
.Ltmp2:
0x54: {  	[sflag:s13] =	ssyncadd.s32 $0xFFFFD880;
	(pc) =	sbr.rel @p0 .LBB2_1-.Ltmp2, $4  }
0x55: {  	[hbm4b:s10+s4] =	stream.linear.scatter [tilespmem:s17], [sflag:$0x2], $0x2780, $0x38;
	[tilespmem:$0x1DB00] =	vst v63  }
0x56: {  	_ =	swait.ge [sflag:s13], $0x2780  }
0x57: {  	[sflag:s13] =	ssyncset.done $0x0  }
0x58: {  	[sflag:s13] =	ssyncadd.s32 $0xFFFFD880  }
0x59: {  	_ =	sfence.sel $0x180000  }
0x5a: {  	[bflag:$0x0] =	sbarrier.arrive $0xFFFF  }
0x5b: {  	p0 =	sne.s32 s1, $0x0;
	_ =	strace $0x90000047  }
0x5c: {  	s0 =	sadd.s32 @!p0 $0x100000, s2;
	[bflag:$0x2] =	sbarrier.arrive $0xFFFF  }
0x5d: {  	[sflag:s0] =	ssyncadd.tile.s32 @!p0 $0x1;
	_ =	shalt  }
.Lfunc_end2:
_tile_overlayer_lowered:
.L_overlay_start_2:
0x5e: {  	(tag) =	ssettag $0x2  }
0x5f: {  	s0 =	rddreg [dreg:$0x0];
	s2 =	stileid.u32  }
0x60: {  	s1 =	rddreg [dreg:$0x1];
	p0 =	sne.s32 s2, $0x0  }
0x61: {  	s3 =	rddreg [dreg:$0x2];
	[bflag:$0x3] =	sbarrier.arrive $0xFFFF;
	s2 =	simm.s32 @!p0 $0x1C02  }
0x62: {  	[timem:s3], [sflag:s2] =	dma.local @!p0 [hbm:s0], s1  }
0x63: {  	s0 =	simm.s32 @!p0 $0x2  }
0x64: {  	_ =	swait.ge @!p0 [sflag:s0], s1  }
0x65: {  	s1 =	ssub.s32 @!p0 $0x0, s1;
	[sflag:s0] =	ssyncset.done @!p0 $0x0  }
0x66: {  	[sflag:s0] =	ssyncadd.s32 @!p0 s1  }
0x67: {  	[bflag:$0x3] =	sbarrier.arrive $0xFFFF  }
0x68: {  	_ =	shalt  }

</sc_bundles>
